<compile_context>
chip_gen: v7x
topology: tpu7x:2x2x1
jax: 0.10.2.dev20260603
libtpu: 0.0.44.dev20260713+nightly
codegen_flags: <defaults>
</compile_context>

<pallas_src>
import functools

import jax
import jax.numpy as jnp
from jax import lax
from jax.experimental import pallas as pl
from jax.experimental.pallas import tpu as pltpu
from jax.experimental.pallas import tpu_sc as plsc

TOTAL = 32768
NC = 1
NS = 16
LANES = 16
PER_TILE = TOTAL // (NC * NS)

_C1 = 0xFF51AFD7ED558CCD
_C2 = 0xC4CEB9FE1A85EC53


def _u32(x):
    return jnp.uint32(x)


def _mul64_const(a_lo, a_hi, c):
    c_lo = c & 0xFFFFFFFF
    c_hi = c >> 32
    c0 = c_lo & 0xFFFF
    c1 = c_lo >> 16
    a0 = a_lo & _u32(0xFFFF)
    a1 = a_lo >> _u32(16)
    p00 = a0 * _u32(c0)
    p01 = a0 * _u32(c1)
    p10 = a1 * _u32(c0)
    p11 = a1 * _u32(c1)
    mid = (p00 >> _u32(16)) + (p01 & _u32(0xFFFF)) + (p10 & _u32(0xFFFF))
    lo = (mid << _u32(16)) | (p00 & _u32(0xFFFF))
    hi = p11 + (p01 >> _u32(16)) + (p10 >> _u32(16)) + (mid >> _u32(16))
    hi = hi + a_lo * _u32(c_hi)
    if a_hi is not None:
        hi = hi + a_hi * _u32(c_lo)
    return lo, hi


def _fmix64_of_u32(v):
    lo, hi = _mul64_const(v, None, _C1)
    lo = lo ^ (hi >> _u32(1))
    lo2, hi2 = _mul64_const(lo, hi, _C2)
    lo2 = lo2 ^ (hi2 >> _u32(1))
    return lo2, hi2


def _hash_body(v_hbm, lo_hbm, hi_hbm, v_v, lo_v, hi_v):
    wid = lax.axis_index("s") * NC + lax.axis_index("c")
    base = wid * PER_TILE
    pltpu.sync_copy(v_hbm.at[pl.ds(base, PER_TILE)], v_v)

    @plsc.parallel_loop(
        jnp.int32(0), jnp.int32(PER_TILE), step=jnp.int32(LANES), unroll=4
    )
    def _(off):
        v = v_v[pl.ds(off, LANES)]
        lo, hi = _fmix64_of_u32(v)
        lo_v[pl.ds(off, LANES)] = lo
        hi_v[pl.ds(off, LANES)] = hi

    pltpu.sync_copy(lo_v, lo_hbm.at[pl.ds(base, PER_TILE)])
    pltpu.sync_copy(hi_v, hi_hbm.at[pl.ds(base, PER_TILE)])


_hash_call = functools.partial(
    pl.kernel,
    out_type=(
        jax.ShapeDtypeStruct((TOTAL,), jnp.uint32),
        jax.ShapeDtypeStruct((TOTAL,), jnp.uint32),
    ),
    mesh=plsc.VectorSubcoreMesh(core_axis_name="c", subcore_axis_name="s", num_cores=1),
    scratch_types=[
        pltpu.VMEM((PER_TILE,), jnp.uint32),
        pltpu.VMEM((PER_TILE,), jnp.uint32),
        pltpu.VMEM((PER_TILE,), jnp.uint32),
    ],
)(_hash_body)


@jax.jit
def kernel(values, offsets, weight):
    v32 = values.astype(jnp.uint32)
    lo, hi = _hash_call(v32)
    hashed = (
        (hi.astype(jnp.uint64) << 32) | lo.astype(jnp.uint64)
    ).astype(jnp.int64)
    return hashed, offsets[:-1], weight

# --- scband reference (transcript-rebuilt; emitter-appended) ---
"""Pipeline reference for scband-hash-35459249996270 (READ-ONLY COPY).

The authoritative reference and input builder live on the scoring server;
editing this copy changes nothing except your own understanding.
"""

import jax
jax.config.update('jax_enable_x64', True)
import jax.numpy as jnp
import numpy as np

TOTAL_TOKENS = 32768
BATCH = 16


def _murmur_fmix64(h):
    # MurmurHash3 64-bit finalizer (elementwise 64-bit hash), uint64 wraparound arithmetic
    h = h ^ (h >> jnp.uint64(33))
    h = h * jnp.uint64(0xFF51AFD7ED558CCD)
    h = h ^ (h >> jnp.uint64(33))
    h = h * jnp.uint64(0xC4CEB9FE1A85EC53)
    h = h ^ (h >> jnp.uint64(33))
    return h


def setup_inputs(seed: int = 0) -> dict:
    key = jax.random.key(seed)
    k1, k2, k3 = jax.random.split(key, 3)
    values = jax.random.randint(k1, (TOTAL_TOKENS,), 0, 1000000000, dtype=jnp.int64)
    offsets = jnp.sort(jax.random.randint(k2, (BATCH + 1,), 0, TOTAL_TOKENS, dtype=jnp.int64))
    weight = jax.random.normal(k3, (TOTAL_TOKENS,), dtype=jnp.float32)
    return {"values": values, "offsets": offsets, "weight": weight}


def reference(values, offsets, weight):
    # Hash op: apply murmur hash elementwise to ragged values; offsets and
    # per-token weights pass through unchanged (RaggedTensor reconstruction).
    hashed = _murmur_fmix64(values.astype(jnp.uint64)).astype(jnp.int64)
    out_offsets = offsets[:-1]
    return (hashed, out_offsets, weight)

if __name__ == "__main__":
    import jax
    _d = setup_inputs()
    print(jax.jit(kernel)(*tuple(_d.values())))

</pallas_src>

<mosaic_0001>
#map = affine_map<(d0, d1) -> (0)>
module attributes {stable_mosaic.version = 14 : i64} {
  func.func @_hash_body(%arg0: i32, %arg1: i32, %arg2: memref<32768xi32, #tpu.memory_space<hbm>>, %arg3: memref<32768xi32, #tpu.memory_space<hbm>>, %arg4: memref<32768xi32, #tpu.memory_space<hbm>>, %arg5: memref<2048xi32, #tpu.memory_space<vmem>>, %arg6: memref<2048xi32, #tpu.memory_space<vmem>>, %arg7: memref<2048xi32, #tpu.memory_space<vmem>>) attributes {dimension_semantics = [#tpu.dimension_semantics<core_parallel>, #tpu.dimension_semantics<subcore_parallel>], iteration_bounds = array<i64: 1, 16>, scalar_prefetch = 0 : i64, scratch_operands = 3 : i64, tpu.core_type = #tpu.core_type<sc_vector_subcore>, window_params = [{transform_indices = #map}, {transform_indices = #map}, {transform_indices = #map}]} {
    %mul3A = arith.constant 1 : i32
    %mul3A_0 = arith.muli %arg1, %mul3A : i32
    %add3A = arith.addi %mul3A_0, %arg0 : i32
    %mul3A_1 = arith.constant 2048 : i32
    %mul3A_2 = arith.muli %add3A, %mul3A_1 : i32
    "tpu.region"() ({
      %run_scoped3A = tpu.sem_alloc : memref<!tpu.dma_semaphore, #tpu.memory_space<semaphore_mem>>
      %dma_start3A = tpu.memref_slice %arg2[%mul3A_2] : memref<32768xi32, #tpu.memory_space<hbm>> -> memref<2048xi32, #tpu.memory_space<hbm>>
      %dma_start3A_5 = tpu.memref_slice %arg2[%mul3A_2] : memref<32768xi32, #tpu.memory_space<hbm>> -> memref<2048xi32, #tpu.memory_space<hbm>>
      tpu.enqueue_dma source(%dma_start3A_5 : memref<2048xi32, #tpu.memory_space<hbm>>) target(%arg5 : memref<2048xi32, #tpu.memory_space<vmem>>) target_semaphore(%run_scoped3A : memref<!tpu.dma_semaphore, #tpu.memory_space<semaphore_mem>>)
      %dma_wait3A = tpu.memref_slice %arg2[%mul3A_2] : memref<32768xi32, #tpu.memory_space<hbm>> -> memref<2048xi32, #tpu.memory_space<hbm>>
      %dma_wait3A_6 = tpu.memref_slice %arg2[%mul3A_2] : memref<32768xi32, #tpu.memory_space<hbm>> -> memref<2048xi32, #tpu.memory_space<hbm>>
      tpu.wait_dma2 semaphore(%run_scoped3A : memref<!tpu.dma_semaphore, #tpu.memory_space<semaphore_mem>>) src(%dma_wait3A_6 : memref<2048xi32, #tpu.memory_space<hbm>>) dst(%arg5 : memref<2048xi32, #tpu.memory_space<vmem>>)
      tpu.yield
    }) : () -> ()
    %parallel_loop3A = arith.constant 0 : i32
    %parallel_loop3A_3 = arith.constant 2048 : i32
    %parallel_loop3A_4 = arith.constant 16 : i32
    scf.for %parallel_loop3A_5 = %parallel_loop3A to %parallel_loop3A_3 step %parallel_loop3A_4  : i32 {
      %parallel_loop3A_6 = arith.index_cast %parallel_loop3A_5 : i32 to index
      %parallel_loop3A_7 = tpu.vector_load %arg5[%parallel_loop3A_6] {strides = array<i32>} : memref<2048xi32, #tpu.memory_space<vmem>>, vector<16xi32>,
      %parallel_loop3A_8 = vector.shape_cast %parallel_loop3A_7 : vector<16xi32> to vector<16xi32>
      %parallel_loop3A_9 = arith.constant 65535 : i32
      %parallel_loop3A_10 = vector.broadcast %parallel_loop3A_9 : i32 to vector<16xi32>
      %parallel_loop3A_11 = arith.andi %parallel_loop3A_8, %parallel_loop3A_10 : vector<16xi32>
      %parallel_loop3A_12 = arith.constant 16 : i32
      %parallel_loop3A_13 = vector.broadcast %parallel_loop3A_12 : i32 to vector<16xi32>
      %parallel_loop3A_14 = arith.shrui %parallel_loop3A_8, %parallel_loop3A_13 : vector<16xi32>
      %parallel_loop3A_15 = arith.constant 36045 : i32
      %parallel_loop3A_16 = vector.broadcast %parallel_loop3A_15 : i32 to vector<16xi32>
      %parallel_loop3A_17 = arith.muli %parallel_loop3A_11, %parallel_loop3A_16 : vector<16xi32>
      %parallel_loop3A_18 = arith.constant 60757 : i32
      %parallel_loop3A_19 = vector.broadcast %parallel_loop3A_18 : i32 to vector<16xi32>
      %parallel_loop3A_20 = arith.muli %parallel_loop3A_11, %parallel_loop3A_19 : vector<16xi32>
      %parallel_loop3A_21 = arith.constant 36045 : i32
      %parallel_loop3A_22 = vector.broadcast %parallel_loop3A_21 : i32 to vector<16xi32>
      %parallel_loop3A_23 = arith.muli %parallel_loop3A_14, %parallel_loop3A_22 : vector<16xi32>
      %parallel_loop3A_24 = arith.constant 60757 : i32
      %parallel_loop3A_25 = vector.broadcast %parallel_loop3A_24 : i32 to vector<16xi32>
      %parallel_loop3A_26 = arith.muli %parallel_loop3A_14, %parallel_loop3A_25 : vector<16xi32>
      %parallel_loop3A_27 = arith.constant 16 : i32
      %parallel_loop3A_28 = vector.broadcast %parallel_loop3A_27 : i32 to vector<16xi32>
      %parallel_loop3A_29 = arith.shrui %parallel_loop3A_17, %parallel_loop3A_28 : vector<16xi32>
      %parallel_loop3A_30 = arith.constant 65535 : i32
      %parallel_loop3A_31 = vector.broadcast %parallel_loop3A_30 : i32 to vector<16xi32>
      %parallel_loop3A_32 = arith.andi %parallel_loop3A_20, %parallel_loop3A_31 : vector<16xi32>
      %parallel_loop3A_33 = arith.addi %parallel_loop3A_29, %parallel_loop3A_32 : vector<16xi32>
      %parallel_loop3A_34 = arith.constant 65535 : i32
      %parallel_loop3A_35 = vector.broadcast %parallel_loop3A_34 : i32 to vector<16xi32>
      %parallel_loop3A_36 = arith.andi %parallel_loop3A_23, %parallel_loop3A_35 : vector<16xi32>
      %parallel_loop3A_37 = arith.addi %parallel_loop3A_33, %parallel_loop3A_36 : vector<16xi32>
      %parallel_loop3A_38 = arith.constant 16 : i32
      %parallel_loop3A_39 = vector.broadcast %parallel_loop3A_38 : i32 to vector<16xi32>
      %parallel_loop3A_40 = arith.shli %parallel_loop3A_37, %parallel_loop3A_39 : vector<16xi32>
      %parallel_loop3A_41 = arith.constant 65535 : i32
      %parallel_loop3A_42 = vector.broadcast %parallel_loop3A_41 : i32 to vector<16xi32>
      %parallel_loop3A_43 = arith.andi %parallel_loop3A_17, %parallel_loop3A_42 : vector<16xi32>
      %parallel_loop3A_44 = arith.ori %parallel_loop3A_40, %parallel_loop3A_43 : vector<16xi32>
      %parallel_loop3A_45 = arith.constant 16 : i32
      %parallel_loop3A_46 = vector.broadcast %parallel_loop3A_45 : i32 to vector<16xi32>
      %parallel_loop3A_47 = arith.shrui %parallel_loop3A_20, %parallel_loop3A_46 : vector<16xi32>
      %parallel_loop3A_48 = arith.addi %parallel_loop3A_26, %parallel_loop3A_47 : vector<16xi32>
      %parallel_loop3A_49 = arith.constant 16 : i32
      %parallel_loop3A_50 = vector.broadcast %parallel_loop3A_49 : i32 to vector<16xi32>
      %parallel_loop3A_51 = arith.shrui %parallel_loop3A_23, %parallel_loop3A_50 : vector<16xi32>
      %parallel_loop3A_52 = arith.addi %parallel_loop3A_48, %parallel_loop3A_51 : vector<16xi32>
      %parallel_loop3A_53 = arith.constant 16 : i32
      %parallel_loop3A_54 = vector.broadcast %parallel_loop3A_53 : i32 to vector<16xi32>
      %parallel_loop3A_55 = arith.shrui %parallel_loop3A_37, %parallel_loop3A_54 : vector<16xi32>
      %parallel_loop3A_56 = arith.addi %parallel_loop3A_52, %parallel_loop3A_55 : vector<16xi32>
      %parallel_loop3A_57 = arith.constant -11423785 : i32
      %parallel_loop3A_58 = vector.broadcast %parallel_loop3A_57 : i32 to vector<16xi32>
      %parallel_loop3A_59 = arith.muli %parallel_loop3A_8, %parallel_loop3A_58 : vector<16xi32>
      %parallel_loop3A_60 = arith.addi %parallel_loop3A_56, %parallel_loop3A_59 : vector<16xi32>
      %parallel_loop3A_61 = arith.constant 1 : i32
      %parallel_loop3A_62 = vector.broadcast %parallel_loop3A_61 : i32 to vector<16xi32>
      %parallel_loop3A_63 = arith.shrui %parallel_loop3A_60, %parallel_loop3A_62 : vector<16xi32>
      %parallel_loop3A_64 = arith.xori %parallel_loop3A_44, %parallel_loop3A_63 : vector<16xi32>
      %parallel_loop3A_65 = arith.constant 65535 : i32
      %parallel_loop3A_66 = vector.broadcast %parallel_loop3A_65 : i32 to vector<16xi32>
      %parallel_loop3A_67 = arith.andi %parallel_loop3A_64, %parallel_loop3A_66 : vector<16xi32>
      %parallel_loop3A_68 = arith.constant 16 : i32
      %parallel_loop3A_69 = vector.broadcast %parallel_loop3A_68 : i32 to vector<16xi32>
      %parallel_loop3A_70 = arith.shrui %parallel_loop3A_64, %parallel_loop3A_69 : vector<16xi32>
      %parallel_loop3A_71 = arith.constant 60499 : i32
      %parallel_loop3A_72 = vector.broadcast %parallel_loop3A_71 : i32 to vector<16xi32>
      %parallel_loop3A_73 = arith.muli %parallel_loop3A_67, %parallel_loop3A_72 : vector<16xi32>
      %parallel_loop3A_74 = arith.constant 6789 : i32
      %parallel_loop3A_75 = vector.broadcast %parallel_loop3A_74 : i32 to vector<16xi32>
      %parallel_loop3A_76 = arith.muli %parallel_loop3A_67, %parallel_loop3A_75 : vector<16xi32>
      %parallel_loop3A_77 = arith.constant 60499 : i32
      %parallel_loop3A_78 = vector.broadcast %parallel_loop3A_77 : i32 to vector<16xi32>
      %parallel_loop3A_79 = arith.muli %parallel_loop3A_70, %parallel_loop3A_78 : vector<16xi32>
      %parallel_loop3A_80 = arith.constant 6789 : i32
      %parallel_loop3A_81 = vector.broadcast %parallel_loop3A_80 : i32 to vector<16xi32>
      %parallel_loop3A_82 = arith.muli %parallel_loop3A_70, %parallel_loop3A_81 : vector<16xi32>
      %parallel_loop3A_83 = arith.constant 16 : i32
      %parallel_loop3A_84 = vector.broadcast %parallel_loop3A_83 : i32 to vector<16xi32>
      %parallel_loop3A_85 = arith.shrui %parallel_loop3A_73, %parallel_loop3A_84 : vector<16xi32>
      %parallel_loop3A_86 = arith.constant 65535 : i32
      %parallel_loop3A_87 = vector.broadcast %parallel_loop3A_86 : i32 to vector<16xi32>
      %parallel_loop3A_88 = arith.andi %parallel_loop3A_76, %parallel_loop3A_87 : vector<16xi32>
      %parallel_loop3A_89 = arith.addi %parallel_loop3A_85, %parallel_loop3A_88 : vector<16xi32>
      %parallel_loop3A_90 = arith.constant 65535 : i32
      %parallel_loop3A_91 = vector.broadcast %parallel_loop3A_90 : i32 to vector<16xi32>
      %parallel_loop3A_92 = arith.andi %parallel_loop3A_79, %parallel_loop3A_91 : vector<16xi32>
      %parallel_loop3A_93 = arith.addi %parallel_loop3A_89, %parallel_loop3A_92 : vector<16xi32>
      %parallel_loop3A_94 = arith.constant 16 : i32
      %parallel_loop3A_95 = vector.broadcast %parallel_loop3A_94 : i32 to vector<16xi32>
      %parallel_loop3A_96 = arith.shli %parallel_loop3A_93, %parallel_loop3A_95 : vector<16xi32>
      %parallel_loop3A_97 = arith.constant 65535 : i32
      %parallel_loop3A_98 = vector.broadcast %parallel_loop3A_97 : i32 to vector<16xi32>
      %parallel_loop3A_99 = arith.andi %parallel_loop3A_73, %parallel_loop3A_98 : vector<16xi32>
      %parallel_loop3A_100 = arith.ori %parallel_loop3A_96, %parallel_loop3A_99 : vector<16xi32>
      %parallel_loop3A_101 = arith.constant 16 : i32
      %parallel_loop3A_102 = vector.broadcast %parallel_loop3A_101 : i32 to vector<16xi32>
      %parallel_loop3A_103 = arith.shrui %parallel_loop3A_76, %parallel_loop3A_102 : vector<16xi32>
      %parallel_loop3A_104 = arith.addi %parallel_loop3A_82, %parallel_loop3A_103 : vector<16xi32>
      %parallel_loop3A_105 = arith.constant 16 : i32
      %parallel_loop3A_106 = vector.broadcast %parallel_loop3A_105 : i32 to vector<16xi32>
      %parallel_loop3A_107 = arith.shrui %parallel_loop3A_79, %parallel_loop3A_106 : vector<16xi32>
      %parallel_loop3A_108 = arith.addi %parallel_loop3A_104, %parallel_loop3A_107 : vector<16xi32>
      %parallel_loop3A_109 = arith.constant 16 : i32
      %parallel_loop3A_110 = vector.broadcast %parallel_loop3A_109 : i32 to vector<16xi32>
      %parallel_loop3A_111 = arith.shrui %parallel_loop3A_93, %parallel_loop3A_110 : vector<16xi32>
      %parallel_loop3A_112 = arith.addi %parallel_loop3A_108, %parallel_loop3A_111 : vector<16xi32>
      %parallel_loop3A_113 = arith.constant -993084930 : i32
      %parallel_loop3A_114 = vector.broadcast %parallel_loop3A_113 : i32 to vector<16xi32>
      %parallel_loop3A_115 = arith.muli %parallel_loop3A_64, %parallel_loop3A_114 : vector<16xi32>
      %parallel_loop3A_116 = arith.addi %parallel_loop3A_112, %parallel_loop3A_115 : vector<16xi32>
      %parallel_loop3A_117 = arith.constant 444984403 : i32
      %parallel_loop3A_118 = vector.broadcast %parallel_loop3A_117 : i32 to vector<16xi32>
      %parallel_loop3A_119 = arith.muli %parallel_loop3A_60, %parallel_loop3A_118 : vector<16xi32>
      %parallel_loop3A_120 = arith.addi %parallel_loop3A_116, %parallel_loop3A_119 : vector<16xi32>
      %parallel_loop3A_121 = arith.constant 1 : i32
      %parallel_loop3A_122 = vector.broadcast %parallel_loop3A_121 : i32 to vector<16xi32>
      %parallel_loop3A_123 = arith.shrui %parallel_loop3A_120, %parallel_loop3A_122 : vector<16xi32>
      %parallel_loop3A_124 = arith.xori %parallel_loop3A_100, %parallel_loop3A_123 : vector<16xi32>
      %parallel_loop3A_125 = arith.index_cast %parallel_loop3A_5 : i32 to index
      %parallel_loop3A_126 = tpu.vector_load %arg6[%parallel_loop3A_125] {strides = array<i32>} : memref<2048xi32, #tpu.memory_space<vmem>>, vector<16xi32>,
      %parallel_loop3A_127 = vector.shape_cast %parallel_loop3A_126 : vector<16xi32> to vector<16xi32>
      %parallel_loop3A_128 = vector.shape_cast %parallel_loop3A_124 : vector<16xi32> to vector<16xi32>
      tpu.vector_store %arg6[%parallel_loop3A_125], %parallel_loop3A_128 {strides = array<i32>} : memref<2048xi32, #tpu.memory_space<vmem>>, vector<16xi32>,
      %parallel_loop3A_129 = arith.index_cast %parallel_loop3A_5 : i32 to index
      %parallel_loop3A_130 = tpu.vector_load %arg7[%parallel_loop3A_129] {strides = array<i32>} : memref<2048xi32, #tpu.memory_space<vmem>>, vector<16xi32>,
      %parallel_loop3A_131 = vector.shape_cast %parallel_loop3A_130 : vector<16xi32> to vector<16xi32>
      %parallel_loop3A_132 = vector.shape_cast %parallel_loop3A_120 : vector<16xi32> to vector<16xi32>
      tpu.vector_store %arg7[%parallel_loop3A_129], %parallel_loop3A_132 {strides = array<i32>} : memref<2048xi32, #tpu.memory_space<vmem>>, vector<16xi32>,
    } {sc.loop_unroll_factor = 4 : i64, sc.parallel_access}
    "tpu.region"() ({
      %run_scoped3A = tpu.sem_alloc : memref<!tpu.dma_semaphore, #tpu.memory_space<semaphore_mem>>
      %dma_start3A = tpu.memref_slice %arg3[%mul3A_2] : memref<32768xi32, #tpu.memory_space<hbm>> -> memref<2048xi32, #tpu.memory_space<hbm>>
      %dma_start3A_5 = tpu.memref_slice %arg3[%mul3A_2] : memref<32768xi32, #tpu.memory_space<hbm>> -> memref<2048xi32, #tpu.memory_space<hbm>>
      tpu.enqueue_dma source(%arg6 : memref<2048xi32, #tpu.memory_space<vmem>>) target(%dma_start3A_5 : memref<2048xi32, #tpu.memory_space<hbm>>) target_semaphore(%run_scoped3A : memref<!tpu.dma_semaphore, #tpu.memory_space<semaphore_mem>>)
      %dma_wait3A = tpu.memref_slice %arg3[%mul3A_2] : memref<32768xi32, #tpu.memory_space<hbm>> -> memref<2048xi32, #tpu.memory_space<hbm>>
      %dma_wait3A_6 = tpu.memref_slice %arg3[%mul3A_2] : memref<32768xi32, #tpu.memory_space<hbm>> -> memref<2048xi32, #tpu.memory_space<hbm>>
      tpu.wait_dma2 semaphore(%run_scoped3A : memref<!tpu.dma_semaphore, #tpu.memory_space<semaphore_mem>>) src(%arg6 : memref<2048xi32, #tpu.memory_space<vmem>>) dst(%dma_wait3A_6 : memref<2048xi32, #tpu.memory_space<hbm>>)
      tpu.yield
    }) : () -> ()
    "tpu.region"() ({
      %run_scoped3A = tpu.sem_alloc : memref<!tpu.dma_semaphore, #tpu.memory_space<semaphore_mem>>
      %dma_start3A = tpu.memref_slice %arg4[%mul3A_2] : memref<32768xi32, #tpu.memory_space<hbm>> -> memref<2048xi32, #tpu.memory_space<hbm>>
      %dma_start3A_5 = tpu.memref_slice %arg4[%mul3A_2] : memref<32768xi32, #tpu.memory_space<hbm>> -> memref<2048xi32, #tpu.memory_space<hbm>>
      tpu.enqueue_dma source(%arg7 : memref<2048xi32, #tpu.memory_space<vmem>>) target(%dma_start3A_5 : memref<2048xi32, #tpu.memory_space<hbm>>) target_semaphore(%run_scoped3A : memref<!tpu.dma_semaphore, #tpu.memory_space<semaphore_mem>>)
      %dma_wait3A = tpu.memref_slice %arg4[%mul3A_2] : memref<32768xi32, #tpu.memory_space<hbm>> -> memref<2048xi32, #tpu.memory_space<hbm>>
      %dma_wait3A_6 = tpu.memref_slice %arg4[%mul3A_2] : memref<32768xi32, #tpu.memory_space<hbm>> -> memref<2048xi32, #tpu.memory_space<hbm>>
      tpu.wait_dma2 semaphore(%run_scoped3A : memref<!tpu.dma_semaphore, #tpu.memory_space<semaphore_mem>>) src(%arg7 : memref<2048xi32, #tpu.memory_space<vmem>>) dst(%dma_wait3A_6 : memref<2048xi32, #tpu.memory_space<hbm>>)
      tpu.yield
    }) : () -> ()
    return
  }
}

</mosaic_0001>

<sc_bundles>
// kernel: kernel.3.cloned.1.call-start
scs
__scs_entry_jumppad:
0x0: {  	(pc) =	sbr.rel $0x88, $3  }
0x1: {  	(tag) =	ssettag $0x0;
	lr =	simm.s32 $0x1  }
0x2: {  	[smem:$0x3F9E] =	sst lr;
	_ =	strace $0xD0000000  }
0x3: {  	_ = 	snop  }
0x4: {  	_ = 	snop  }
0x5: {  	_ = 	snop  }
0x6: {  	_ = 	snop  }
0x7: {  	_ = 	snop  }
__scs_overlays_trampoline_lowered:
0x8: {  	[smem:$0x3FAD] =	sst s0  }
0x9: {  	[smem:$0x3FAE] =	sst s1  }
0xa: {  	[smem:$0x3FAF] =	sst s2  }
0xb: {  	[smem:$0x3FB0] =	sst s3  }
0xc: {  	[smem:$0x3FB1] =	sst s4  }
0xd: {  	[smem:$0x3FB2] =	sst s5  }
0xe: {  	[smem:$0x3FB3] =	sst s6  }
0xf: {  	[smem:$0x3FB4] =	sst s7  }
0x10: {  	[smem:$0x3FB5] =	sst s8  }
0x11: {  	[smem:$0x3FB6] =	sst s9;
	s0 =	simm.s32 @!p0 $0x0  }
0x12: {  	s1 =	sld [smem:$0x3F9C];
	s0 =	simm.s32 @p0 $0x1  }
0x13: {  	[smem:$0x3FB7] =	sst s0;
	s0 =	simm.s32 @!p1 $0x0  }
0x14: {  	s2 =	sld [smem:$0x3F9B];
	s0 =	simm.s32 @p1 $0x1  }
0x15: {  	[smem:$0x3FB8] =	sst s0;
	s0 =	simm.s32 @!p2 $0x0  }
0x16: {  	s3 =	sld [smem:$0x3FDB];
	s0 =	simm.s32 @p2 $0x1  }
0x17: {  	s4 =	simm.s32 $0x1BF5;
	[smem:$0x3FBA] =	sst s0  }
0x18: {  	s0 =	sld [smem:$0x3F9D];
	_ =	swait.ge [sflag:s4], $0x0  }
0x19: {  	s7 =	sld [smem:$0x3F9E]  }
0x1a: {  	s8 =	sadd.s32 $0xFFFFE003, lr  }
0x1b: {  	s9 =	sadd.s32 $0xFFFFFEF7, lr;
	s5 =	simm.s32 $0xFFFFFFFF;
	p2 =	slt.u32 s8, $0xFFFFF086  }
0x1c: {  	p1 =	slt.u32 s9, $0xF7A;
	s5 =	simm.s32 @!p2 $0x0  }
0x1d: {  	s5 =	simm.s32 @p1 $0x1;
	p0 =	seq.s32 s7, s2  }
0x1e: {  	s7 =	smul.u32 @!p0 $0xF7A, s2;
	p2 =	seq.s32 @!p0 s5, $0x0  }
0x1f: {  	s9 =	smul.u32 $0xF7A, s1;
	s8 =	simm.s32 @!p0 $0x1BF5;
	p2 =	por !p2, p0  }
0x20: {  	[sflag:s8] =	ssyncset.s32 @!p0 $0xFFFFF086;
	s6 =	sadd.s32 @!p0 s3, s7;
	s7 =	simm.s32 @!p0 $0x108  }
0x21: {  	s3 =	sadd.s32 s3, s9;
	s6 =	sadd.s32 @!p0 $0x88, s6;
	s7 =	simm.s32 @p2 $0x1082  }
0x22: {  	[simem:s7], [sflag:s8] =	dma.local @!p0 [hbm:s6], $0xF7A  }
0x23: {  	s9 =	sor.u32 $0xD0000000, s2;
	s6 =	simm.s32 $0x108;
	_ =	swait.ge @!p0 [sflag:s8], $0x0  }
0x24: {  	s3 =	sadd.s32 $0x88, s3;
	s6 =	simm.s32 @!p1 $0x1082;
	[sflag:s4] =	ssyncset.s32 $0xFFFFF086  }
0x25: {  	[simem:s6], [sflag:s4] =	dma.local [hbm:s3], $0xF7A  }
0x26: {  	[smem:$0x3F9E] =	sst s1;
	(tag) =	ssettag s2;
	_ =	strace s9  }
0x27: {  	s1 =	sld [smem:$0x3FAE]  }
0x28: {  	s2 =	sld [smem:$0x3FAF]  }
0x29: {  	s4 =	sld [smem:$0x3FB1]  }
0x2a: {  	p0 =	seq.s32 s5, $0x0;
	s5 =	sld [smem:$0x3FB2]  }
0x2b: {  	s6 =	sld [smem:$0x3FB3]  }
0x2c: {  	s7 =	sld [smem:$0x3FB4]  }
0x2d: {  	s3 =	simm.s32 $0x108;
	s8 =	sld [smem:$0x3FB5]  }
0x2e: {  	s3 =	simm.s32 @!p0 $0x1082;
	s9 =	sld [smem:$0x3FB6]  }
0x2f: {  	lr =	sadd.s32 s0, s3;
	s0 =	sld [smem:$0x3FAD]  }
0x30: {  	s3 =	sld [smem:$0x3FB0]  }
0x31: {  	[smem:$0x3FB9] =	sst s10  }
0x32: {  	s10 =	sld [smem:$0x3FB7];
	_ =	sdelay $0x3  }
0x33: {  	p0 =	seq.s32 s10, $0x1;
	s10 =	sld [smem:$0x3FB9];
	_ =	sdelay $0x3  }
0x34: {  	[smem:$0x3FB9] =	sst s10  }
0x35: {  	s10 =	sld [smem:$0x3FB8];
	_ =	sdelay $0x3  }
0x36: {  	p1 =	seq.s32 s10, $0x1;
	s10 =	sld [smem:$0x3FB9];
	_ =	sdelay $0x3  }
0x37: {  	[smem:$0x3FB9] =	sst s10  }
0x38: {  	s10 =	sld [smem:$0x3FBA]  }
0x39: {  	_ = 	snop;
	(pc) =	sbr.ind lr, $3  }
0x3a: {  	_ = 	snop  }
0x3b: {  	_ = 	snop  }
0x3c: {  	p2 =	seq.s32 s10, $0x1;
	s10 =	sld [smem:$0x3FB9]  }
0x3d: {  	_ =	shalt  }
0x3e: {  	_ =	shalt  }
0x3f: {  	_ =	shalt  }
0x40: {  	_ =	shalt  }
0x41: {  	_ =	shalt  }
0x42: {  	_ =	shalt  }
0x43: {  	_ =	shalt  }
0x44: {  	_ =	shalt  }
0x45: {  	_ =	shalt  }
0x46: {  	_ =	shalt  }
0x47: {  	_ =	shalt  }
0x48: {  	_ =	shalt  }
0x49: {  	_ =	shalt  }
0x4a: {  	_ =	shalt  }
0x4b: {  	_ =	shalt  }
0x4c: {  	_ =	shalt  }
0x4d: {  	_ =	shalt  }
0x4e: {  	_ =	shalt  }
0x4f: {  	_ =	shalt  }
0x50: {  	_ =	shalt  }
0x51: {  	_ =	shalt  }
0x52: {  	_ =	shalt  }
0x53: {  	_ =	shalt  }
0x54: {  	_ =	shalt  }
0x55: {  	_ =	shalt  }
0x56: {  	_ =	shalt  }
0x57: {  	_ =	shalt  }
0x58: {  	_ =	shalt  }
0x59: {  	_ =	shalt  }
0x5a: {  	_ =	shalt  }
0x5b: {  	_ =	shalt  }
0x5c: {  	_ =	shalt  }
0x5d: {  	_ =	shalt  }
0x5e: {  	_ =	shalt  }
0x5f: {  	_ =	shalt  }
0x60: {  	_ =	shalt  }
0x61: {  	_ =	shalt  }
0x62: {  	_ =	shalt  }
0x63: {  	_ =	shalt  }
0x64: {  	_ =	shalt  }
0x65: {  	_ =	shalt  }
0x66: {  	_ =	shalt  }
0x67: {  	_ =	shalt  }
0x68: {  	_ =	shalt  }
0x69: {  	_ =	shalt  }
0x6a: {  	_ =	shalt  }
0x6b: {  	_ =	shalt  }
0x6c: {  	_ =	shalt  }
0x6d: {  	_ =	shalt  }
0x6e: {  	_ =	shalt  }
0x6f: {  	_ =	shalt  }
0x70: {  	_ =	shalt  }
0x71: {  	_ =	shalt  }
0x72: {  	_ =	shalt  }
0x73: {  	_ =	shalt  }
0x74: {  	_ =	shalt  }
0x75: {  	_ =	shalt  }
0x76: {  	_ =	shalt  }
0x77: {  	_ =	shalt  }
0x78: {  	_ =	shalt  }
0x79: {  	_ =	shalt  }
0x7a: {  	_ =	shalt  }
0x7b: {  	_ =	shalt  }
0x7c: {  	_ =	shalt  }
0x7d: {  	_ =	shalt  }
0x7e: {  	_ =	shalt  }
0x7f: {  	_ =	shalt  }
0x80: {  	_ =	shalt  }
0x81: {  	_ =	shalt  }
0x82: {  	_ =	shalt  }
0x83: {  	_ =	shalt  }
0x84: {  	_ =	shalt  }
0x85: {  	_ =	shalt  }
0x86: {  	_ =	shalt  }
0x87: {  	_ =	shalt  }
.Lfunc_end0:
.L_simem_size_0:
called_computation_lowered:
.L_overlay_start_0:
0x88: {  	s0 =	sld [smem:$0x3FD9]  }
0x89: {  	s1 =	sld [smem:$0x3FFE];
	_ =	sdelay $0x3  }
0x8a: {  	s0 =	sadd.s32 s1, s0  }
0x8b: {  	[smem:$0x3FC5] =	sst s0  }
0x8c: {  	_ = 	snop  }
0x8d: {  	s0 =	sld [smem:$0x3FD0];
	_ =	sdelay $0x2  }
0x8e: {  	s13 =	simm.s32 $0xA;
	s2 =	simm.s32 $0x10  }
0x8f: {  	[smem:s2], [sflag:s13] =	dma.local [hbm:s0], $0x1  }
0x90: {  	_ =	swait.eq [sflag:s13], $0x1  }
0x91: {  	[sflag:s13] =	ssyncset.done $0x0  }
0x92: {  	s14 =	sld [smem:$0x10];
	[sflag:s13] =	ssyncadd.s32 $0xFFFFFFFF  }
0x93: {  	s15 =	sld [smem:$0x12];
	(tm) =	ssettm $0x1  }
0x94: {  	s16 =	sld [smem:$0x3FFB];
	_ =	sdelay $0x3  }
0x95: {  	_ =	strace s16  }
0x96: {  	s2 =	sld [smem:$0x3FFC];
	_ =	sdelay $0x3  }
0x97: {  	_ =	strace s2  }
0x98: {  	s2 =	sld [smem:$0x3FFD];
	_ =	sdelay $0x3  }
0x99: {  	_ =	strace s2  }
0x9a: {  	_ =	strace $0x8FFFFFFF  }
0x9b: {  	s17 =	sld [smem:$0x3FDB];
	_ =	sdelay $0x1  }
0x9c: {  	s3 =	simm.s32 $_scs_section_size  }
0x9d: {  	s4 =	simm.s32 $_size__tile_overlayer_lowered;
	s5 =	simm.s32 $_tile_overlayer_lowered  }
0x9e: {  	s20 =	simm.s32 $0x1BFF;
	s19 =	sshll.u32 s5, $0x1;
	s2 =	sadd.s32 s3, s17  }
0x9f: {  	s6 =	simm.s32 $0x0;
	s18 =	sshll.u32 s4, $0x1;
	s4 =	sadd.s32 s19, s2  }
0xa0: {  	[timem:s6], [sflag:s20] =	dma.local [hbm:s4], s18  }
0xa1: {  	_ =	swait.ge [sflag:s20], s18  }
0xa2: {  	s3 =	ssub.s32 $0x0, s18;
	[sflag:s20] =	ssyncset.done $0x0  }
0xa3: {  	[sflag:s20] =	ssyncadd.s32 s3;
	_ =	sdelay $0x1  }
0xa4: {  	s21 =	simm.s32 $0x1B8B  }
0xa5: {  	_ =	swait.ge [sflag:s21], $0x1  }
0xa6: {  	[sflag:s21] =	ssyncset.done $0x0  }
0xa7: {  	s23 =	simm.s32 $0x1B8E;
	s22 =	sld [smem:$0x3FFE];
	[sflag:s21] =	ssyncadd.s32 $0xFFFFFFFF  }
0xa8: {  	s24 =	simm.s32 $execute0_lowered;
	[smem:$0x3FD2] =	sst s23  }
0xa9: {  	s4 =	sshll.u32 s24, $0x1;
	_ =	strace $0x80000046;
	[dreg:$0x1] =	wrdreg $0xFFFFFFFF  }
0xaa: {  	s25 =	simm.s32 $_size_execute0_lowered;
	s2 =	sadd.s32 s2, s4;
	[dreg:$0x0] =	wrdreg $0x0  }
0xab: {  	s4 =	sshll.u32 s25, $0x1;
	[dreg:$0x2] =	wrdreg s2  }
0xac: {  	[dreg:$0x3] =	wrdreg s4  }
0xad: {  	[dreg:$0x4] =	wrdreg $0xC0  }
0xae: {  	_ =	task [dreg:s6], $0x5FFFF  }
0xaf: {  	[dreg:$0x1] =	wrdreg $0xFFFFFFFF  }
0xb0: {  	[dreg:$0x0] =	wrdreg $0x60  }
0xb1: {  	[dreg:$0x2] =	wrdreg s15  }
0xb2: {  	[dreg:$0x3] =	wrdreg s14  }
0xb3: {  	[dreg:$0x4] =	wrdreg s22  }
0xb4: {  	[dreg:$0x5] =	wrdreg $0x9  }
0xb5: {  	_ =	task.clear_ibuf [dreg:s6], $0x6FFFF;
	_ =	strace $0x90000046  }
0xb6: {  	s26 =	simm.s32 $0x9;
	_ =	strace $0x80000048  }
0xb7: {  	_ =	swait.ge [sflag:s26], $0x1  }
0xb8: {  	[sflag:s26] =	ssyncadd.s32 $0xFFFFFFFF  }
0xb9: {  	_ =	strace $0x90000048  }
0xba: {  	_ =	sfence  }
0xbb: {  	s28 =	sld [smem:$0x0];
	_ =	sdelay $0x1  }
0xbc: {  	s29 =	srdreg.scid  }
0xbd: {  	s30 =	sshll.u32 s29, $0xD;
	s31 =	sshrl.u32 s29, $0x2  }
0xbe: {  	s1 =	sand.u32 $0x1, s29;
	s2 =	sand.u32 $0x4000, s30;
	s0 =	sadd.s32 s31, s28  }
0xbf: {  	s1 =	sor.u32 s2, s1;
	s0 =	sshll.u32 s0, $0x11  }
0xc0: {  	s0 =	sor.u32 s0, s1  }
0xc1: {  	s0 =	sadd.s32 $0x8F2B, s0  }
0xc2: {  	[sflag:s0] =	ssyncadd.remote.s32 $0x1  }
0xc3: {  	_ =	sfence.sel $0xFFFF  }
0xc4: {  	[dreg:$0x0] =	wrdreg $0xFFFFFFFF;
	(pc) =	sbr.abs _section_cstart, $3  }
0xc5: {  	[dreg:$0x1] =	wrdreg $0xFFFFFFFF  }
0xc6: {  	_ =	task.clear_ibuf [dreg:s6], $0x2FFFF;
	_ =	strace $0x9FFFFFFF  }
0xc7: {  	(tm) =	ssettm $0x7FFFFFFF  }
tec
execute0_lowered:
.L_overlay_start_1:
0x0: {  	(tag) =	ssettag $0x1  }
0x1: {  	s5 =	rddreg [dreg:$0x0]  }
0x2: {  	s3 =	rddreg [dreg:$0x1]  }
0x3: {  	s4 =	rddreg [dreg:$0x2]  }
0x4: {  	s0 =	rddreg [dreg:$0x3];
	s6 =	simm.s32 $0x0;
	s1 =	stileid.u32  }
0x5: {  	[smem:$0x7FF] =	sst s6;
	s2 =	sshll.u32 s1, $0x8  }
0x6: {  	s30 =	simm.s32 $0x1;
	_ =	strace $0x80000047;
	s5 =	sadd.s32 s5, s2  }
0x7: {  	[tilespmem:s6], [sflag:$0x1] =	stream.linear.gather [hbm4b:s5+s6], $0x800, $0x38;
	[tilespmem:$0x1800] =	vst v63  }
0x8: {  	_ =	swait.ge [sflag:s30], $0x800  }
0x9: {  	[sflag:s30] =	ssyncset.done $0x0  }
0xa: {  	s31 =	simm.s32 $0x20;
	[sflag:s30] =	ssyncadd.s32 $0xFFFFF800  }
0xb: {  	v0 =	vld [tilespmem:s31+$0x10]  }
0xc: {  	v1 =	vld [tilespmem:s31+$0xFFFFFFF0]  }
0xd: {  	v8 =	vld [tilespmem:s31+$0x0];
	_ =	sdelay $0x2  }
0xe: {  	v2 =	vand.u32 $0xFFFF, v0;
	v3 =	vshrl.u32 v0, $0x10  }
0xf: {  	v7 =	vand.u32 $0xFFFF, v1;
	v0 =	vmul.u32 $0xFF51AFD7, v0;
	v32 =	vshrl.u32 v1, $0x10  }
0x10: {  	v33 =	vshrl.u32 v8, $0x10;
	v1 =	vmul.u32 $0xFF51AFD7, v1;
	v5 =	vmul.u32 $0x8CCD, v2  }
0x11: {  	v4 =	vld [tilespmem:s31+$0xFFFFFFE0];
	v2 =	vmul.u32 $0xED55, v2;
	v6 =	vmul.u32 $0x8CCD, v3;
	v3 =	vmul.u32 $0xED55, v3  }
0x12: {  	v15 =	vmul.u32 $0x8CCD, v32;
	v16 =	vmul.u32 $0x8CCD, v33;
	v9 =	vshrl.u32 v5, $0x10  }
0x13: {  	v10 =	vand.u32 $0xFFFF, v2;
	v11 =	vand.u32 $0xFFFF, v6;
	v2 =	vshrl.u32 v2, $0x10  }
0x14: {  	v0 =	vadd.s32 v0, v3;
	v6 =	vshrl.u32 v6, $0x10;
	v5 =	vand.u32 $0xFFFF, v5  }
0x15: {  	v38 =	vand.u32 $0xFFFF, v16;
	v9 =	vadd.s32 v10, v9;
	v0 =	vadd.s32 v2, v0  }
0x16: {  	v2 =	vand.u32 $0xFFFF, v4;
	v3 =	vadd.s32 v11, v9;
	v0 =	vadd.s32 v6, v0  }
0x17: {  	v6 =	vand.u32 $0xFFFF, v8;
	v8 =	vmul.u32 $0xFF51AFD7, v8;
	v9 =	vshrl.u32 v3, $0x10  }
0x18: {  	v3 =	vshll.u32 v3, $0x10;
	v0 =	vadd.s32 v9, v0;
	v9 =	vmul.u32 $0x8CCD, v2  }
0x19: {  	v3 =	vor.u32 v5, v3;
	v2 =	vmul.u32 $0xED55, v2;
	v5 =	vshrl.u32 v0, $0x1  }
0x1a: {  	v0 =	vmul.u32 $0x1A85EC53, v0;
	v3 =	vxor.u32 v3, v5;
	v17 =	vshrl.u32 v9, $0x10  }
0x1b: {  	v18 =	vand.u32 $0xFFFF, v2;
	v2 =	vshrl.u32 v2, $0x10;
	v5 =	vand.u32 $0xFFFF, v3  }
0x1c: {  	v10 =	vshrl.u32 v3, $0x10;
	v3 =	vmul.u32 $0xC4CEB9FE, v3;
	v11 =	vmul.u32 $0xEC53, v5  }
0x1d: {  	v17 =	vadd.s32 v18, v17;
	v5 =	vmul.u32 $0x1A85, v5;
	v12 =	vmul.u32 $0xEC53, v10  }
0x1e: {  	v10 =	vmul.u32 $0x1A85, v10;
	v0 =	vadd.s32 v0, v3;
	v3 =	vshrl.u32 v11, $0x10  }
0x1f: {  	v13 =	vand.u32 $0xFFFF, v5;
	v14 =	vand.u32 $0xFFFF, v12;
	v5 =	vshrl.u32 v5, $0x10  }
0x20: {  	v0 =	vadd.s32 v10, v0;
	v10 =	vshrl.u32 v12, $0x10;
	v11 =	vand.u32 $0xFFFF, v11  }
0x21: {  	v12 =	vmul.u32 $0xED55, v32;
	v3 =	vadd.s32 v13, v3;
	v0 =	vadd.s32 v5, v0  }
0x22: {  	v5 =	vmul.u32 $0x8CCD, v7;
	v13 =	vmul.u32 $0xED55, v33;
	v3 =	vadd.s32 v14, v3  }
0x23: {  	v0 =	vadd.s32 v10, v0;
	v1 =	vadd.s32 v1, v12;
	v31 =	vshrl.u32 v3, $0x10  }
0x24: {  	v10 =	vshll.u32 v3, $0x10;
	v19 =	vshrl.u32 v5, $0x10;
	v8 =	vadd.s32 v8, v13  }
0x25: {  	v5 =	vand.u32 $0xFFFF, v5;
	v3 =	vadd.s32 v31, v0;
	v0 =	vmul.u32 $0xED55, v7  }
0x26: {  	v7 =	vor.u32 v11, v10;
	v11 =	vmul.u32 $0x8CCD, v6;
	v10 =	vshrl.u32 v3, $0x1  }
0x27: {  	v6 =	vmul.u32 $0xED55, v6;
	v10 =	vxor.u32 v7, v10;
	v7 =	vshrl.u32 v4, $0x10  }
0x28: {  	v4 =	vmul.u32 $0xFF51AFD7, v4;
	v20 =	vand.u32 $0xFFFF, v0;
	v21 =	vshrl.u32 v11, $0x10  }
0x29: {  	v22 =	vand.u32 $0xFFFF, v6;
	v0 =	vshrl.u32 v0, $0x10;
	v6 =	vshrl.u32 v6, $0x10  }
0x2a: {  	v34 =	vmul.u32 $0x8CCD, v7;
	v7 =	vmul.u32 $0xED55, v7;
	v35 =	vadd.s32 v20, v19  }
0x2b: {  	v36 =	vadd.s32 v22, v21;
	v0 =	vadd.s32 v0, v1;
	v1 =	vadd.s32 v6, v8  }
0x2c: {  	v6 =	vshrl.u32 v15, $0x10;
	v8 =	vshrl.u32 v16, $0x10;
	v12 =	vadd.s32 v38, v36  }
0x2d: {  	v0 =	vadd.s32 v6, v0;
	v1 =	vadd.s32 v8, v1;
	v37 =	vand.u32 $0xFFFF, v34  }
0x2e: {  	v4 =	vadd.s32 v4, v7;
	v7 =	vand.u32 $0xFFFF, v15;
	v42 =	vshrl.u32 v12, $0x10  }
0x2f: {  	v39 =	vadd.s32 v37, v17;
	v7 =	vadd.s32 v7, v35;
	v2 =	vadd.s32 v2, v4  }
0x30: {  	v4 =	vshrl.u32 v34, $0x10;
	v8 =	vadd.s32 v42, v1;
	v40 =	vshrl.u32 v39, $0x10  }
0x31: {  	v41 =	vshrl.u32 v7, $0x10;
	v2 =	vadd.s32 v4, v2;
	v1 =	vshll.u32 v7, $0x10  }
0x32: {  	v7 =	vand.u32 $0xFFFF, v9;
	v9 =	vand.u32 $0xFFFF, v11;
	v44 =	vshrl.u32 v8, $0x1  }
0x33: {  	v8 =	vmul.u32 $0x1A85EC53, v8;
	v4 =	vadd.s32 v40, v2;
	v6 =	vadd.s32 v41, v0  }
0x34: {  	v0 =	vshll.u32 v39, $0x10;
	v2 =	vshll.u32 v12, $0x10;
	v1 =	vor.u32 v5, v1  }
0x35: {  	v11 =	vshrl.u32 v4, $0x1;
	v43 =	vshrl.u32 v6, $0x1;
	v0 =	vor.u32 v7, v0  }
0x36: {  	v2 =	vor.u32 v9, v2;
	v4 =	vmul.u32 $0x1A85EC53, v4;
	v6 =	vmul.u32 $0x1A85EC53, v6  }
0x37: {  	v5 =	vxor.u32 v0, v11;
	v7 =	vxor.u32 v1, v43;
	v9 =	vxor.u32 v2, v44  }
0x38: {  	v0 =	vand.u32 $0xFFFF, v5;
	v11 =	vand.u32 $0xFFFF, v7;
	v45 =	vand.u32 $0xFFFF, v9  }
0x39: {  	v47 =	vshrl.u32 v5, $0x10;
	v5 =	vmul.u32 $0xC4CEB9FE, v5;
	v48 =	vshrl.u32 v7, $0x10  }
0x3a: {  	v7 =	vmul.u32 $0xC4CEB9FE, v7;
	v49 =	vshrl.u32 v9, $0x10;
	v9 =	vmul.u32 $0xC4CEB9FE, v9  }
0x3b: {  	v2 =	vmul.u32 $0xEC53, v0;
	v46 =	vmul.u32 $0x1A85, v0;
	v1 =	vmul.u32 $0xEC53, v11  }
0x3c: {  	v11 =	vmul.u32 $0x1A85, v11;
	v0 =	vmul.u32 $0xEC53, v45;
	v12 =	vmul.u32 $0x1A85, v45  }
0x3d: {  	v50 =	vmul.u32 $0xEC53, v47;
	v14 =	vmul.u32 $0x1A85, v47;
	v51 =	vmul.u32 $0xEC53, v48  }
0x3e: {  	v15 =	vmul.u32 $0x1A85, v48;
	v52 =	vmul.u32 $0xEC53, v49;
	v16 =	vmul.u32 $0x1A85, v49  }
0x3f: {  	v4 =	vadd.s32 v4, v5;
	v6 =	vadd.s32 v6, v7;
	v8 =	vadd.s32 v8, v9  }
0x40: {  	v53 =	vshrl.u32 v2, $0x10;
	v54 =	vand.u32 $0xFFFF, v46;
	v55 =	vshrl.u32 v1, $0x10  }
0x41: {  	v23 =	vand.u32 $0xFFFF, v11;
	v5 =	vshrl.u32 v0, $0x10;
	v7 =	vand.u32 $0xFFFF, v12  }
0x42: {  	v13 =	vshrl.u32 v46, $0x10;
	v4 =	vadd.s32 v14, v4;
	v57 =	vand.u32 $0xFFFF, v51  }
0x43: {  	v11 =	vshrl.u32 v11, $0x10;
	v6 =	vadd.s32 v15, v6;
	v58 =	vand.u32 $0xFFFF, v52  }
0x44: {  	v12 =	vshrl.u32 v12, $0x10;
	v16 =	vadd.s32 v16, v8;
	v59 =	vshrl.u32 v51, $0x10  }
0x45: {  	v60 =	vshrl.u32 v52, $0x10;
	v9 =	vadd.s32 v54, v53;
	v56 =	vadd.s32 v23, v55  }
0x46: {  	v5 =	vadd.s32 v7, v5;
	v7 =	vand.u32 $0xFFFF, v50;
	v4 =	vadd.s32 v13, v4  }
0x47: {  	v6 =	vadd.s32 v11, v6;
	v11 =	vshrl.u32 v50, $0x10;
	v8 =	vadd.s32 v7, v9  }
0x48: {  	s5 =	simm.s32 $0x820;
	v7 =	vadd.s32 v57, v56;
	v5 =	vadd.s32 v58, v5;
	v9 =	vadd.s32 v12, v16  }
0x49: {  	[tilespmem:s5+$0x10] =	vst v10;
	v4 =	vadd.s32 v11, v4;
	v10 =	vadd.s32 v59, v6;
	v61 =	vshrl.u32 v8, $0x10  }
0x4a: {  	s6 =	simm.s32 $0x1020;
	v62 =	vshrl.u32 v7, $0x10;
	v63 =	vshrl.u32 v5, $0x10;
	v9 =	vadd.s32 v60, v9  }
0x4b: {  	s7 =	simm.s32 $0x0;
	s8 =	simm.s32 $0x60;
	s4 =	sadd.s32 $0xC00, s4;
	[tilespmem:s6+$0x10] =	vst v3;
	v6 =	vadd.s32 v61, v4;
	v4 =	vadd.s32 v62, v10;
	v3 =	vadd.s32 v63, v9  }
.LBB2_1:
0x4c: {  	v9 =	vld [tilespmem:s8+$0x10];
	v8 =	vshll.u32 v8, $0x10;
	v7 =	vshll.u32 v7, $0x10;
	v5 =	vshll.u32 v5, $0x10  }
0x4d: {  	s7 =	sadd.s32 $0x40, s7;
	v2 =	vand.u32 $0xFFFF, v2;
	v1 =	vand.u32 $0xFFFF, v1;
	v0 =	vand.u32 $0xFFFF, v0;
	v10 =	vld [tilespmem:s8+$0xFFFFFFF0]  }
0x4e: {  	v12 =	vshrl.u32 v6, $0x1;
	v13 =	vshrl.u32 v4, $0x1;
	v14 =	vshrl.u32 v3, $0x1;
	p0 =	slt.u32 s7, $0x7C0;
	v11 =	vld [tilespmem:s8+$0x0]  }
0x4f: {  	v2 =	vor.u32 v2, v8;
	v1 =	vor.u32 v1, v7;
	v0 =	vor.u32 v0, v5;
	v15 =	vld [tilespmem:s8+$0xFFFFFFE0]  }
0x50: {  	v2 =	vxor.u32 v2, v12;
	v1 =	vxor.u32 v1, v13;
	v0 =	vxor.u32 v0, v14  }
0x51: {  	v5 =	vand.u32 $0xFFFF, v9;
	v7 =	vshrl.u32 v9, $0x10;
	[tilespmem:s5+$0xFFFFFFE0] =	vst v2  }
0x52: {  	v2 =	vmul.u32 $0x8CCD, v5;
	v5 =	vmul.u32 $0xED55, v5;
	v8 =	vmul.u32 $0x8CCD, v7;
	[tilespmem:s6+$0xFFFFFFE0] =	vst v6  }
0x53: {  	v9 =	vmul.u32 $0xFF51AFD7, v9;
	v6 =	vand.u32 $0xFFFF, v10;
	v7 =	vmul.u32 $0xED55, v7;
	[tilespmem:s5+$0xFFFFFFF0] =	vst v1  }
0x54: {  	v1 =	vshrl.u32 v2, $0x10;
	v12 =	vand.u32 $0xFFFF, v5;
	v13 =	vand.u32 $0xFFFF, v8;
	[tilespmem:s6+$0xFFFFFFF0] =	vst v4  }
0x55: {  	v4 =	vshrl.u32 v5, $0x10;
	v5 =	vadd.s32 v9, v7;
	v1 =	vadd.s32 v12, v1;
	[tilespmem:s5+$0x0] =	vst v0  }
0x56: {  	v4 =	vadd.s32 v4, v5;
	v0 =	vadd.s32 v13, v1;
	v1 =	vshrl.u32 v8, $0x10;
	[tilespmem:s6+$0x0] =	vst v3  }
0x57: {  	v3 =	vand.u32 $0xFFFF, v15;
	v5 =	vshrl.u32 v0, $0x10;
	v1 =	vadd.s32 v1, v4  }
0x58: {  	v2 =	vand.u32 $0xFFFF, v2;
	v0 =	vshll.u32 v0, $0x10;
	v1 =	vadd.s32 v5, v1  }
0x59: {  	v4 =	vand.u32 $0xFFFF, v11;
	v0 =	vor.u32 v2, v0;
	v2 =	vshrl.u32 v1, $0x1  }
0x5a: {  	v5 =	vmul.u32 $0x8CCD, v3;
	v1 =	vmul.u32 $0x1A85EC53, v1;
	v0 =	vxor.u32 v0, v2  }
0x5b: {  	v2 =	vand.u32 $0xFFFF, v0;
	v7 =	vshrl.u32 v0, $0x10;
	v0 =	vmul.u32 $0xC4CEB9FE, v0  }
0x5c: {  	v8 =	vmul.u32 $0xEC53, v2;
	v2 =	vmul.u32 $0x1A85, v2;
	v9 =	vmul.u32 $0xEC53, v7  }
0x5d: {  	v3 =	vmul.u32 $0xED55, v3;
	v7 =	vmul.u32 $0x1A85, v7;
	v0 =	vadd.s32 v1, v0  }
0x5e: {  	v1 =	vshrl.u32 v8, $0x10;
	v12 =	vand.u32 $0xFFFF, v2;
	v13 =	vand.u32 $0xFFFF, v9  }
0x5f: {  	v2 =	vshrl.u32 v2, $0x10;
	v0 =	vadd.s32 v7, v0;
	v1 =	vadd.s32 v12, v1  }
0x60: {  	v7 =	vshrl.u32 v9, $0x10;
	v0 =	vadd.s32 v2, v0;
	v1 =	vadd.s32 v13, v1  }
0x61: {  	v2 =	vmul.u32 $0x8CCD, v6;
	v0 =	vadd.s32 v7, v0;
	v9 =	vshrl.u32 v1, $0x10  }
0x62: {  	v7 =	vand.u32 $0xFFFF, v8;
	v1 =	vshll.u32 v1, $0x10;
	v0 =	vadd.s32 v9, v0  }
0x63: {  	v6 =	vmul.u32 $0xED55, v6;
	v1 =	vor.u32 v7, v1;
	v7 =	vshrl.u32 v0, $0x1  }
0x64: {  	s5 =	sadd.s32 $0x40, s5;
	v8 =	vmul.u32 $0x8CCD, v4;
	v4 =	vmul.u32 $0xED55, v4;
	v1 =	vxor.u32 v1, v7  }
0x65: {  	s6 =	sadd.s32 $0x40, s6;
	v12 =	vshrl.u32 v11, $0x10;
	v9 =	vshrl.u32 v10, $0x10;
	v7 =	vshrl.u32 v15, $0x10;
	[tilespmem:s5+$0x10] =	vst v1  }
0x66: {  	v13 =	vmul.u32 $0x8CCD, v9;
	v1 =	vmul.u32 $0x8CCD, v7;
	v7 =	vmul.u32 $0xED55, v7;
	[tilespmem:s6+$0x10] =	vst v0  }
0x67: {  	v0 =	vmul.u32 $0xED55, v9;
	v9 =	vmul.u32 $0x8CCD, v12;
	v12 =	vmul.u32 $0xED55, v12  }
0x68: {  	v14 =	vmul.u32 $0xFF51AFD7, v15;
	v11 =	vmul.u32 $0xFF51AFD7, v11;
	v10 =	vmul.u32 $0xFF51AFD7, v10  }
0x69: {  	v16 =	vand.u32 $0xFFFF, v3;
	v17 =	vshrl.u32 v2, $0x10;
	v15 =	vshrl.u32 v5, $0x10  }
0x6a: {  	v18 =	vand.u32 $0xFFFF, v6;
	v19 =	vshrl.u32 v8, $0x10;
	v20 =	vand.u32 $0xFFFF, v4  }
0x6b: {  	v15 =	vadd.s32 v16, v15;
	v16 =	vadd.s32 v18, v17;
	v17 =	vadd.s32 v20, v19  }
0x6c: {  	v3 =	vshrl.u32 v3, $0x10;
	v18 =	vand.u32 $0xFFFF, v1;
	v7 =	vadd.s32 v14, v7  }
0x6d: {  	v6 =	vshrl.u32 v6, $0x10;
	v14 =	vand.u32 $0xFFFF, v13;
	v0 =	vadd.s32 v10, v0  }
0x6e: {  	v4 =	vshrl.u32 v4, $0x10;
	v10 =	vand.u32 $0xFFFF, v9;
	v11 =	vadd.s32 v11, v12  }
0x6f: {  	v12 =	vadd.s32 v18, v15;
	v14 =	vadd.s32 v14, v16;
	v10 =	vadd.s32 v10, v17  }
0x70: {  	v3 =	vadd.s32 v3, v7;
	v0 =	vadd.s32 v6, v0;
	v4 =	vadd.s32 v4, v11  }
0x71: {  	v1 =	vshrl.u32 v1, $0x10;
	v7 =	vshrl.u32 v9, $0x10;
	v6 =	vshrl.u32 v13, $0x10  }
0x72: {  	v9 =	vshrl.u32 v12, $0x10;
	v11 =	vshrl.u32 v14, $0x10;
	v13 =	vshrl.u32 v10, $0x10  }
0x73: {  	v1 =	vadd.s32 v1, v3;
	v0 =	vadd.s32 v6, v0;
	v3 =	vadd.s32 v7, v4  }
0x74: {  	v4 =	vadd.s32 v9, v1;
	v6 =	vadd.s32 v11, v0;
	v3 =	vadd.s32 v13, v3  }
0x75: {  	v1 =	vshll.u32 v14, $0x10;
	v7 =	vshll.u32 v10, $0x10;
	v0 =	vshll.u32 v12, $0x10  }
0x76: {  	v2 =	vand.u32 $0xFFFF, v2;
	v8 =	vand.u32 $0xFFFF, v8;
	v5 =	vand.u32 $0xFFFF, v5  }
0x77: {  	v9 =	vshrl.u32 v4, $0x1;
	v10 =	vshrl.u32 v6, $0x1;
	v11 =	vshrl.u32 v3, $0x1  }
0x78: {  	v1 =	vor.u32 v2, v1;
	v2 =	vor.u32 v8, v7;
	v0 =	vor.u32 v5, v0  }
0x79: {  	v5 =	vxor.u32 v0, v9;
	v7 =	vxor.u32 v1, v10;
	v8 =	vxor.u32 v2, v11  }
0x7a: {  	v0 =	vand.u32 $0xFFFF, v5;
	v9 =	vand.u32 $0xFFFF, v7;
	v10 =	vand.u32 $0xFFFF, v8  }
0x7b: {  	v2 =	vmul.u32 $0xEC53, v0;
	v11 =	vmul.u32 $0x1A85, v0;
	v1 =	vmul.u32 $0xEC53, v9  }
0x7c: {  	v9 =	vmul.u32 $0x1A85, v9;
	v0 =	vmul.u32 $0xEC53, v10;
	v10 =	vmul.u32 $0x1A85, v10  }
0x7d: {  	v12 =	vshrl.u32 v5, $0x10;
	v5 =	vmul.u32 $0xC4CEB9FE, v5;
	v13 =	vshrl.u32 v7, $0x10  }
0x7e: {  	v7 =	vmul.u32 $0xC4CEB9FE, v7;
	v14 =	vshrl.u32 v8, $0x10;
	v8 =	vmul.u32 $0xC4CEB9FE, v8  }
0x7f: {  	v4 =	vmul.u32 $0x1A85EC53, v4;
	v6 =	vmul.u32 $0x1A85EC53, v6;
	v3 =	vmul.u32 $0x1A85EC53, v3  }
0x80: {  	v15 =	vmul.u32 $0xEC53, v12;
	v12 =	vmul.u32 $0x1A85, v12;
	v16 =	vmul.u32 $0xEC53, v13  }
0x81: {  	v13 =	vmul.u32 $0x1A85, v13;
	v17 =	vmul.u32 $0xEC53, v14;
	v14 =	vmul.u32 $0x1A85, v14  }
0x82: {  	v18 =	vshrl.u32 v2, $0x10;
	v19 =	vand.u32 $0xFFFF, v11;
	v20 =	vshrl.u32 v1, $0x10  }
0x83: {  	v21 =	vand.u32 $0xFFFF, v9;
	v22 =	vshrl.u32 v0, $0x10;
	v23 =	vand.u32 $0xFFFF, v10  }
0x84: {  	v4 =	vadd.s32 v4, v5;
	v5 =	vadd.s32 v6, v7;
	v3 =	vadd.s32 v3, v8  }
0x85: {  	v6 =	vadd.s32 v19, v18;
	v7 =	vadd.s32 v21, v20;
	v18 =	vadd.s32 v23, v22  }
0x86: {  	v8 =	vand.u32 $0xFFFF, v15;
	v11 =	vshrl.u32 v11, $0x10;
	v4 =	vadd.s32 v12, v4  }
0x87: {  	v12 =	vand.u32 $0xFFFF, v16;
	v9 =	vshrl.u32 v9, $0x10;
	v13 =	vadd.s32 v13, v5  }
0x88: {  	v5 =	vand.u32 $0xFFFF, v17;
	v10 =	vshrl.u32 v10, $0x10;
	v3 =	vadd.s32 v14, v3  }
0x89: {  	v8 =	vadd.s32 v8, v6;
	v7 =	vadd.s32 v12, v7;
	v5 =	vadd.s32 v5, v18  }
.Ltmp0:
0x8a: {  	v4 =	vadd.s32 v11, v4;
	v3 =	vadd.s32 v10, v3;
	v6 =	vadd.s32 v9, v13;
	(pc) =	sbr.rel @p0 .LBB2_1-.Ltmp0, $4  }
0x8b: {  	v10 =	vshrl.u32 v16, $0x10;
	v11 =	vshrl.u32 v17, $0x10;
	v9 =	vshrl.u32 v15, $0x10  }
0x8c: {  	v12 =	vshrl.u32 v8, $0x10;
	v13 =	vshrl.u32 v7, $0x10;
	v14 =	vshrl.u32 v5, $0x10  }
0x8d: {  	v3 =	vadd.s32 v11, v3;
	v4 =	vadd.s32 v9, v4;
	v9 =	vadd.s32 v10, v6  }
0x8e: {  	s8 =	sadd.s32 $0x40, s8;
	v6 =	vadd.s32 v12, v4;
	v4 =	vadd.s32 v13, v9;
	v3 =	vadd.s32 v14, v3  }
0x8f: {  	v8 =	vshll.u32 v8, $0x10;
	v2 =	vand.u32 $0xFFFF, v2  }
0x90: {  	v9 =	vshrl.u32 v6, $0x1;
	v7 =	vshll.u32 v7, $0x10;
	v1 =	vand.u32 $0xFFFF, v1  }
0x91: {  	v61 =	vshrl.u32 v4, $0x1;
	v62 =	vshll.u32 v5, $0x10;
	v2 =	vor.u32 v2, v8  }
0x92: {  	v0 =	vand.u32 $0xFFFF, v0;
	v1 =	vor.u32 v1, v7;
	v2 =	vxor.u32 v2, v9  }
0x93: {  	v63 =	vshrl.u32 v3, $0x1;
	v0 =	vor.u32 v0, v62;
	v1 =	vxor.u32 v1, v61;
	[tilespmem:s5+$0xFFFFFFE0] =	vst v2  }
0x94: {  	v0 =	vxor.u32 v0, v63;
	[tilespmem:s5+$0xFFFFFFF0] =	vst v1  }
0x95: {  	[tilespmem:s5+$0x0] =	vst v0  }
0x96: {  	[tilespmem:s6+$0xFFFFFFE0] =	vst v6  }
0x97: {  	s3 =	sadd.s32 s3, s2;
	[tilespmem:s6+$0xFFFFFFF0] =	vst v4  }
0x98: {  	s26 =	simm.s32 $0x0;
	s28 =	simm.s32 $0x800;
	s29 =	simm.s32 $0x1;
	[tilespmem:s6+$0x0] =	vst v3  }
0x99: {  	[hbm4b:s3+s26] =	stream.linear.scatter [tilespmem:s28], [sflag:$0x1], $0x800, $0x38;
	[tilespmem:$0x1800] =	vst v63  }
0x9a: {  	_ =	swait.ge [sflag:s29], $0x800  }
0x9b: {  	[sflag:s29] =	ssyncset.done $0x0  }
0x9c: {  	s30 =	sadd.s32 s4, s2;
	s31 =	simm.s32 $0x1000;
	[sflag:s29] =	ssyncadd.s32 $0xFFFFF800  }
0x9d: {  	[hbm4b:s30+s26] =	stream.linear.scatter [tilespmem:s31], [sflag:$0x1], $0x800, $0x38;
	[tilespmem:$0x1800] =	vst v63  }
0x9e: {  	_ =	swait.ge [sflag:s29], $0x800  }
0x9f: {  	[sflag:s29] =	ssyncset.done $0x0  }
0xa0: {  	[sflag:s29] =	ssyncadd.s32 $0xFFFFF800  }
0xa1: {  	_ =	sfence.sel $0x180000  }
0xa2: {  	[bflag:$0x0] =	sbarrier.arrive $0xFFFF  }
0xa3: {  	p0 =	sne.s32 s1, $0x0;
	_ =	strace $0x90000047  }
0xa4: {  	s0 =	sadd.s32 @!p0 $0x100000, s0;
	[bflag:$0x2] =	sbarrier.arrive $0xFFFF  }
0xa5: {  	[sflag:s0] =	ssyncadd.tile.s32 @!p0 $0x1;
	_ =	shalt  }
.Lfunc_end2:
_tile_overlayer_lowered:
.L_overlay_start_2:
0xa6: {  	(tag) =	ssettag $0x2  }
0xa7: {  	s0 =	rddreg [dreg:$0x0];
	s2 =	stileid.u32  }
0xa8: {  	s1 =	rddreg [dreg:$0x1];
	p0 =	sne.s32 s2, $0x0  }
0xa9: {  	s3 =	rddreg [dreg:$0x2];
	[bflag:$0x3] =	sbarrier.arrive $0xFFFF;
	s2 =	simm.s32 @!p0 $0x1C01  }
0xaa: {  	[timem:s3], [sflag:s2] =	dma.local @!p0 [hbm:s0], s1  }
0xab: {  	s0 =	simm.s32 @!p0 $0x1  }
0xac: {  	_ =	swait.ge @!p0 [sflag:s0], s1  }
0xad: {  	s1 =	ssub.s32 @!p0 $0x0, s1;
	[sflag:s0] =	ssyncset.done @!p0 $0x0  }
0xae: {  	[sflag:s0] =	ssyncadd.s32 @!p0 s1  }
0xaf: {  	[bflag:$0x3] =	sbarrier.arrive $0xFFFF  }
0xb0: {  	_ =	shalt  }

</sc_bundles>
